<compile_context>
chip_gen: v7x
topology: tpu7x:2x2x1
jax: 0.10.2.dev20260603
libtpu: 0.0.44.dev20260713+nightly
codegen_flags: <defaults>
</compile_context>

<pallas_src>
import functools

import jax
import jax.numpy as jnp
from jax import lax
from jax.experimental import pallas as pl
from jax.experimental.pallas import tpu as pltpu
from jax.experimental.pallas import tpu_sc as plsc

_BLK = 8192
_SC_WORKERS = 8
_LANES = 16


def _tc_prefix_body(x_ref, w1_ref, b1t_ref, w2t_ref, b2_ref, n_ref,
                    p_ref, carry_ref):
    i = pl.program_id(0)

    @pl.when(i == 0)
    def _():
        carry_ref[0, 0] = 0.0

    x = x_ref[...]
    ht = lax.dot_general(w1_ref[...], x,
                         (((0,), (1,)), ((), ())),
                         preferred_element_type=jnp.float32)
    ht = ht + b1t_ref[...]
    u = ht * 0.5
    ht = u + u * jnp.tanh(u)
    yit = jnp.dot(w2t_ref[...].astype(jnp.bfloat16), ht.astype(jnp.bfloat16),
                  preferred_element_type=jnp.float32)
    yit = yit + b2_ref[0, 0]
    cols = lax.broadcasted_iota(jnp.int32, (1, _BLK), 1) + i * _BLK
    yit = jnp.where(cols < n_ref[0, 0], yit, 0.0)
    zro = jnp.zeros((1, _BLK), jnp.float32)
    s = yit
    k = 1
    while k < _BLK:
        s = s + jnp.concatenate([zro[:, :k], s[:, : _BLK - k]], axis=1)
        k *= 2
    carry = carry_ref[0, 0]
    p_ref[...] = (s - yit + carry).reshape(1, 1, _BLK)
    carry_ref[0, 0] = carry + jnp.sum(yit)


def _sc_csr_diff(n_mol, spw):
    mesh = plsc.VectorSubcoreMesh(core_axis_name="c", subcore_axis_name="s",
                                  num_cores=1, num_subcores=_SC_WORKERS)
    chunk = spw + _LANES

    @functools.partial(
        pl.kernel,
        mesh=mesh,
        out_type=jax.ShapeDtypeStruct((n_mol,), jnp.float32),
        scratch_types=[
            pltpu.VMEM((chunk,), jnp.int32),
            pltpu.VMEM((chunk,), jnp.float32),
            pltpu.VMEM((spw,), jnp.float32),
            pltpu.SemaphoreType.DMA,
        ],
    )
    def run(seg_hbm, p_hbm, out_hbm, idx_v, vals_v, out_v, sem):
        w = lax.axis_index("s")
        base = jnp.minimum(w * spw, n_mol - spw)
        zeros16 = jnp.zeros((_LANES,), jnp.int32)
        for k in range(chunk // _LANES):
            idx_v[pl.ds(k * _LANES, _LANES)] = zeros16
        pltpu.sync_copy(seg_hbm.at[pl.ds(base, spw + 1)],
                        idx_v.at[pl.ds(0, spw + 1)])
        pltpu.async_copy(p_hbm.at[idx_v], vals_v, sem).wait()
        for k in range(spw // _LANES):
            a = vals_v[pl.ds(k * _LANES, _LANES)]
            b = vals_v[pl.ds(k * _LANES + 1, _LANES)]
            out_v[pl.ds(k * _LANES, _LANES)] = b - a
        pltpu.sync_copy(out_v, out_hbm.at[pl.ds(base, spw)])

    return run


def kernel(scalar_representation, atomic_numbers, seg_m, W1, b1, W2, b2):
    del atomic_numbers
    n, d_in = scalar_representation.shape
    d_hid = W1.shape[1]
    n_mol = seg_m.shape[0] - 1
    nblk = (n + _BLK - 1) // _BLK
    npad = nblk * _BLK

    n_arr = jnp.full((1, 1), n, dtype=jnp.int32)

    p = pl.pallas_call(
        _tc_prefix_body,
        grid=(nblk,),
        in_specs=[
            pl.BlockSpec((_BLK, d_in), lambda i: (i, 0)),
            pl.BlockSpec((d_in, d_hid), lambda i: (0, 0)),
            pl.BlockSpec((d_hid, 1), lambda i: (0, 0)),
            pl.BlockSpec((1, d_hid), lambda i: (0, 0)),
            pl.BlockSpec((1, 1), lambda i: (0, 0), memory_space=pltpu.SMEM),
            pl.BlockSpec((1, 1), lambda i: (0, 0), memory_space=pltpu.SMEM),
        ],
        out_specs=pl.BlockSpec((1, 1, _BLK), lambda i: (i, 0, 0)),
        out_shape=jax.ShapeDtypeStruct((nblk, 1, _BLK), jnp.float32),
        scratch_shapes=[pltpu.SMEM((1, 1), jnp.float32)],
    )(scalar_representation, W1, b1.reshape(d_hid, 1),
      W2.reshape(1, d_hid), b2.reshape(1, 1), n_arr)

    n_w = _SC_WORKERS
    spw = (-(-n_mol // n_w) + _LANES - 1) // _LANES * _LANES
    return _sc_csr_diff(n_mol, spw)(seg_m.astype(jnp.int32), p.reshape(npad))

# --- scband reference (transcript-rebuilt; emitter-appended) ---
"""Pipeline reference for scband-atomwise-52682068853316 (READ-ONLY COPY).

The authoritative reference and input builder live on the scoring server;
editing this copy changes nothing except your own understanding.
"""

import jax, jax.numpy as jnp
import numpy as np

N_ATOMS = 100000
N_IN = 256
N_HID = 128
N_OUT = 1
N_MOL = 2000
MEAN = 0.0
STDDEV = 1.0


def setup_inputs(seed: int = 0):
    key = jax.random.key(seed)
    k = jax.random.split(key, 6)
    scalar_representation = jax.random.normal(k[0], (N_ATOMS, N_IN), dtype=jnp.float32)
    atomic_numbers = jax.random.randint(k[1], (N_ATOMS,), 0, 100)
    seg_m = jnp.sort(jax.random.randint(k[2], (N_MOL + 1,), 0, N_ATOMS))
    W1 = jax.random.normal(k[3], (N_IN, N_HID), dtype=jnp.float32) / np.sqrt(N_IN)
    b1 = jnp.zeros((N_HID,), dtype=jnp.float32)
    W2 = jax.random.normal(k[4], (N_HID, N_OUT), dtype=jnp.float32) / np.sqrt(N_HID)
    b2 = jnp.zeros((N_OUT,), dtype=jnp.float32)
    return {"scalar_representation": scalar_representation, "atomic_numbers": atomic_numbers, "seg_m": seg_m, "W1": W1, "b1": b1, "W2": W2, "b2": b2}


def _segment_csr_sum(yi, seg_m, num_segments):
    # segment_csr(yi, seg_m, reduce='sum'): out[j] = sum over yi[seg_m[j]:seg_m[j+1]]
    n = yi.shape[0]
    idx = jnp.arange(n)
    seg_ids = jnp.searchsorted(seg_m, idx, side="right") - 1
    valid = (seg_ids >= 0) & (seg_ids < num_segments)
    seg_ids_c = jnp.clip(seg_ids, 0, num_segments - 1)
    vals = jnp.where(valid[:, None], yi, 0.0)
    return jax.ops.segment_sum(vals, seg_ids_c, num_segments=num_segments)


def reference(scalar_representation, atomic_numbers, seg_m, W1, b1, W2, b2):
    # pyramidal MLP: 256 -> 128 (SiLU) -> 1
    h = jax.nn.silu(scalar_representation @ W1 + b1)
    yi = h @ W2 + b2
    # ScaleShift (atomref=None so no per-element reference added)
    yi = yi * STDDEV + MEAN
    y = _segment_csr_sum(yi, seg_m, N_MOL)
    y = jnp.squeeze(y, -1)
    return y

if __name__ == "__main__":
    import jax
    _d = setup_inputs()
    print(jax.jit(kernel)(*tuple(_d.values())))

</pallas_src>

<mosaic_0001>
#map = affine_map<(d0, d1) -> (0)>
module attributes {stable_mosaic.version = 14 : i64} {
  func.func @run(%arg0: i32, %arg1: i32, %arg2: memref<2001xi32, #tpu.memory_space<hbm>>, %arg3: memref<106496xf32, #tpu.memory_space<hbm>>, %arg4: memref<2000xf32, #tpu.memory_space<hbm>>, %arg5: memref<272xi32, #tpu.memory_space<vmem>>, %arg6: memref<272xf32, #tpu.memory_space<vmem>>, %arg7: memref<256xf32, #tpu.memory_space<vmem>>, %arg8: memref<!tpu.dma_semaphore, #tpu.memory_space<semaphore_mem>>) attributes {dimension_semantics = [#tpu.dimension_semantics<core_parallel>, #tpu.dimension_semantics<subcore_parallel>], iteration_bounds = array<i64: 1, 8>, scalar_prefetch = 0 : i64, scratch_operands = 4 : i64, tpu.core_type = #tpu.core_type<sc_vector_subcore>, window_params = [{transform_indices = #map}, {transform_indices = #map}, {transform_indices = #map}]} {
    %mul3A = arith.constant 256 : i32
    %mul3A_0 = arith.muli %arg1, %mul3A : i32
    %min3A = arith.constant 1744 : i32
    %min3A_1 = arith.minsi %mul3A_0, %min3A : i32
    %broadcast_in_dim3A = arith.constant 0 : i32
    %broadcast_in_dim3A_2 = vector.broadcast %broadcast_in_dim3A : i32 to vector<16xi32>
    %swap3A = arith.constant 0 : index
    %swap3A_3 = tpu.vector_load %arg5[%swap3A] {strides = array<i32>} : memref<272xi32, #tpu.memory_space<vmem>>, vector<16xi32>,
    %swap3A_4 = vector.shape_cast %swap3A_3 : vector<16xi32> to vector<16xi32>
    %swap3A_5 = vector.shape_cast %broadcast_in_dim3A_2 : vector<16xi32> to vector<16xi32>
    tpu.vector_store %arg5[%swap3A], %swap3A_5 {strides = array<i32>} : memref<272xi32, #tpu.memory_space<vmem>>, vector<16xi32>,
    %swap3A_6 = arith.constant 16 : index
    %swap3A_7 = tpu.vector_load %arg5[%swap3A_6] {strides = array<i32>} : memref<272xi32, #tpu.memory_space<vmem>>, vector<16xi32>,
    %swap3A_8 = vector.shape_cast %swap3A_7 : vector<16xi32> to vector<16xi32>
    %swap3A_9 = vector.shape_cast %broadcast_in_dim3A_2 : vector<16xi32> to vector<16xi32>
    tpu.vector_store %arg5[%swap3A_6], %swap3A_9 {strides = array<i32>} : memref<272xi32, #tpu.memory_space<vmem>>, vector<16xi32>,
    %swap3A_10 = arith.constant 32 : index
    %swap3A_11 = tpu.vector_load %arg5[%swap3A_10] {strides = array<i32>} : memref<272xi32, #tpu.memory_space<vmem>>, vector<16xi32>,
    %swap3A_12 = vector.shape_cast %swap3A_11 : vector<16xi32> to vector<16xi32>
    %swap3A_13 = vector.shape_cast %broadcast_in_dim3A_2 : vector<16xi32> to vector<16xi32>
    tpu.vector_store %arg5[%swap3A_10], %swap3A_13 {strides = array<i32>} : memref<272xi32, #tpu.memory_space<vmem>>, vector<16xi32>,
    %swap3A_14 = arith.constant 48 : index
    %swap3A_15 = tpu.vector_load %arg5[%swap3A_14] {strides = array<i32>} : memref<272xi32, #tpu.memory_space<vmem>>, vector<16xi32>,
    %swap3A_16 = vector.shape_cast %swap3A_15 : vector<16xi32> to vector<16xi32>
    %swap3A_17 = vector.shape_cast %broadcast_in_dim3A_2 : vector<16xi32> to vector<16xi32>
    tpu.vector_store %arg5[%swap3A_14], %swap3A_17 {strides = array<i32>} : memref<272xi32, #tpu.memory_space<vmem>>, vector<16xi32>,
    %swap3A_18 = arith.constant 64 : index
    %swap3A_19 = tpu.vector_load %arg5[%swap3A_18] {strides = array<i32>} : memref<272xi32, #tpu.memory_space<vmem>>, vector<16xi32>,
    %swap3A_20 = vector.shape_cast %swap3A_19 : vector<16xi32> to vector<16xi32>
    %swap3A_21 = vector.shape_cast %broadcast_in_dim3A_2 : vector<16xi32> to vector<16xi32>
    tpu.vector_store %arg5[%swap3A_18], %swap3A_21 {strides = array<i32>} : memref<272xi32, #tpu.memory_space<vmem>>, vector<16xi32>,
    %swap3A_22 = arith.constant 80 : index
    %swap3A_23 = tpu.vector_load %arg5[%swap3A_22] {strides = array<i32>} : memref<272xi32, #tpu.memory_space<vmem>>, vector<16xi32>,
    %swap3A_24 = vector.shape_cast %swap3A_23 : vector<16xi32> to vector<16xi32>
    %swap3A_25 = vector.shape_cast %broadcast_in_dim3A_2 : vector<16xi32> to vector<16xi32>
    tpu.vector_store %arg5[%swap3A_22], %swap3A_25 {strides = array<i32>} : memref<272xi32, #tpu.memory_space<vmem>>, vector<16xi32>,
    %swap3A_26 = arith.constant 96 : index
    %swap3A_27 = tpu.vector_load %arg5[%swap3A_26] {strides = array<i32>} : memref<272xi32, #tpu.memory_space<vmem>>, vector<16xi32>,
    %swap3A_28 = vector.shape_cast %swap3A_27 : vector<16xi32> to vector<16xi32>
    %swap3A_29 = vector.shape_cast %broadcast_in_dim3A_2 : vector<16xi32> to vector<16xi32>
    tpu.vector_store %arg5[%swap3A_26], %swap3A_29 {strides = array<i32>} : memref<272xi32, #tpu.memory_space<vmem>>, vector<16xi32>,
    %swap3A_30 = arith.constant 112 : index
    %swap3A_31 = tpu.vector_load %arg5[%swap3A_30] {strides = array<i32>} : memref<272xi32, #tpu.memory_space<vmem>>, vector<16xi32>,
    %swap3A_32 = vector.shape_cast %swap3A_31 : vector<16xi32> to vector<16xi32>
    %swap3A_33 = vector.shape_cast %broadcast_in_dim3A_2 : vector<16xi32> to vector<16xi32>
    tpu.vector_store %arg5[%swap3A_30], %swap3A_33 {strides = array<i32>} : memref<272xi32, #tpu.memory_space<vmem>>, vector<16xi32>,
    %swap3A_34 = arith.constant 128 : index
    %swap3A_35 = tpu.vector_load %arg5[%swap3A_34] {strides = array<i32>} : memref<272xi32, #tpu.memory_space<vmem>>, vector<16xi32>,
    %swap3A_36 = vector.shape_cast %swap3A_35 : vector<16xi32> to vector<16xi32>
    %swap3A_37 = vector.shape_cast %broadcast_in_dim3A_2 : vector<16xi32> to vector<16xi32>
    tpu.vector_store %arg5[%swap3A_34], %swap3A_37 {strides = array<i32>} : memref<272xi32, #tpu.memory_space<vmem>>, vector<16xi32>,
    %swap3A_38 = arith.constant 144 : index
    %swap3A_39 = tpu.vector_load %arg5[%swap3A_38] {strides = array<i32>} : memref<272xi32, #tpu.memory_space<vmem>>, vector<16xi32>,
    %swap3A_40 = vector.shape_cast %swap3A_39 : vector<16xi32> to vector<16xi32>
    %swap3A_41 = vector.shape_cast %broadcast_in_dim3A_2 : vector<16xi32> to vector<16xi32>
    tpu.vector_store %arg5[%swap3A_38], %swap3A_41 {strides = array<i32>} : memref<272xi32, #tpu.memory_space<vmem>>, vector<16xi32>,
    %swap3A_42 = arith.constant 160 : index
    %swap3A_43 = tpu.vector_load %arg5[%swap3A_42] {strides = array<i32>} : memref<272xi32, #tpu.memory_space<vmem>>, vector<16xi32>,
    %swap3A_44 = vector.shape_cast %swap3A_43 : vector<16xi32> to vector<16xi32>
    %swap3A_45 = vector.shape_cast %broadcast_in_dim3A_2 : vector<16xi32> to vector<16xi32>
    tpu.vector_store %arg5[%swap3A_42], %swap3A_45 {strides = array<i32>} : memref<272xi32, #tpu.memory_space<vmem>>, vector<16xi32>,
    %swap3A_46 = arith.constant 176 : index
    %swap3A_47 = tpu.vector_load %arg5[%swap3A_46] {strides = array<i32>} : memref<272xi32, #tpu.memory_space<vmem>>, vector<16xi32>,
    %swap3A_48 = vector.shape_cast %swap3A_47 : vector<16xi32> to vector<16xi32>
    %swap3A_49 = vector.shape_cast %broadcast_in_dim3A_2 : vector<16xi32> to vector<16xi32>
    tpu.vector_store %arg5[%swap3A_46], %swap3A_49 {strides = array<i32>} : memref<272xi32, #tpu.memory_space<vmem>>, vector<16xi32>,
    %swap3A_50 = arith.constant 192 : index
    %swap3A_51 = tpu.vector_load %arg5[%swap3A_50] {strides = array<i32>} : memref<272xi32, #tpu.memory_space<vmem>>, vector<16xi32>,
    %swap3A_52 = vector.shape_cast %swap3A_51 : vector<16xi32> to vector<16xi32>
    %swap3A_53 = vector.shape_cast %broadcast_in_dim3A_2 : vector<16xi32> to vector<16xi32>
    tpu.vector_store %arg5[%swap3A_50], %swap3A_53 {strides = array<i32>} : memref<272xi32, #tpu.memory_space<vmem>>, vector<16xi32>,
    %swap3A_54 = arith.constant 208 : index
    %swap3A_55 = tpu.vector_load %arg5[%swap3A_54] {strides = array<i32>} : memref<272xi32, #tpu.memory_space<vmem>>, vector<16xi32>,
    %swap3A_56 = vector.shape_cast %swap3A_55 : vector<16xi32> to vector<16xi32>
    %swap3A_57 = vector.shape_cast %broadcast_in_dim3A_2 : vector<16xi32> to vector<16xi32>
    tpu.vector_store %arg5[%swap3A_54], %swap3A_57 {strides = array<i32>} : memref<272xi32, #tpu.memory_space<vmem>>, vector<16xi32>,
    %swap3A_58 = arith.constant 224 : index
    %swap3A_59 = tpu.vector_load %arg5[%swap3A_58] {strides = array<i32>} : memref<272xi32, #tpu.memory_space<vmem>>, vector<16xi32>,
    %swap3A_60 = vector.shape_cast %swap3A_59 : vector<16xi32> to vector<16xi32>
    %swap3A_61 = vector.shape_cast %broadcast_in_dim3A_2 : vector<16xi32> to vector<16xi32>
    tpu.vector_store %arg5[%swap3A_58], %swap3A_61 {strides = array<i32>} : memref<272xi32, #tpu.memory_space<vmem>>, vector<16xi32>,
    %swap3A_62 = arith.constant 240 : index
    %swap3A_63 = tpu.vector_load %arg5[%swap3A_62] {strides = array<i32>} : memref<272xi32, #tpu.memory_space<vmem>>, vector<16xi32>,
    %swap3A_64 = vector.shape_cast %swap3A_63 : vector<16xi32> to vector<16xi32>
    %swap3A_65 = vector.shape_cast %broadcast_in_dim3A_2 : vector<16xi32> to vector<16xi32>
    tpu.vector_store %arg5[%swap3A_62], %swap3A_65 {strides = array<i32>} : memref<272xi32, #tpu.memory_space<vmem>>, vector<16xi32>,
    %swap3A_66 = arith.constant 256 : index
    %swap3A_67 = tpu.vector_load %arg5[%swap3A_66] {strides = array<i32>} : memref<272xi32, #tpu.memory_space<vmem>>, vector<16xi32>,
    %swap3A_68 = vector.shape_cast %swap3A_67 : vector<16xi32> to vector<16xi32>
    %swap3A_69 = vector.shape_cast %broadcast_in_dim3A_2 : vector<16xi32> to vector<16xi32>
    tpu.vector_store %arg5[%swap3A_66], %swap3A_69 {strides = array<i32>} : memref<272xi32, #tpu.memory_space<vmem>>, vector<16xi32>,
    "tpu.region"() ({
      %run_scoped3A = tpu.sem_alloc : memref<!tpu.dma_semaphore, #tpu.memory_space<semaphore_mem>>
      %dma_start3A_246 = arith.constant 0 : i32
      %dma_start3A_247 = tpu.memref_slice %arg5[%dma_start3A_246] : memref<272xi32, #tpu.memory_space<vmem>> -> memref<257xi32, #tpu.memory_space<vmem>>
      %dma_start3A_248 = tpu.memref_slice %arg2[%min3A_1] : memref<2001xi32, #tpu.memory_space<hbm>> -> memref<257xi32, #tpu.memory_space<hbm>>
      %dma_start3A_249 = arith.constant 0 : i32
      %dma_start3A_250 = tpu.memref_slice %arg5[%dma_start3A_249] : memref<272xi32, #tpu.memory_space<vmem>> -> memref<257xi32, #tpu.memory_space<vmem>>
      %dma_start3A_251 = tpu.memref_slice %arg2[%min3A_1] : memref<2001xi32, #tpu.memory_space<hbm>> -> memref<257xi32, #tpu.memory_space<hbm>>
      tpu.enqueue_dma source(%dma_start3A_251 : memref<257xi32, #tpu.memory_space<hbm>>) target(%dma_start3A_250 : memref<257xi32, #tpu.memory_space<vmem>>) target_semaphore(%run_scoped3A : memref<!tpu.dma_semaphore, #tpu.memory_space<semaphore_mem>>)
      %dma_wait3A_252 = arith.constant 0 : i32
      %dma_wait3A_253 = tpu.memref_slice %arg5[%dma_wait3A_252] : memref<272xi32, #tpu.memory_space<vmem>> -> memref<257xi32, #tpu.memory_space<vmem>>
      %dma_wait3A_254 = tpu.memref_slice %arg2[%min3A_1] : memref<2001xi32, #tpu.memory_space<hbm>> -> memref<257xi32, #tpu.memory_space<hbm>>
      %dma_wait3A_255 = arith.constant 0 : i32
      %dma_wait3A_256 = tpu.memref_slice %arg5[%dma_wait3A_255] : memref<272xi32, #tpu.memory_space<vmem>> -> memref<257xi32, #tpu.memory_space<vmem>>
      %dma_wait3A_257 = tpu.memref_slice %arg2[%min3A_1] : memref<2001xi32, #tpu.memory_space<hbm>> -> memref<257xi32, #tpu.memory_space<hbm>>
      tpu.wait_dma2 semaphore(%run_scoped3A : memref<!tpu.dma_semaphore, #tpu.memory_space<semaphore_mem>>) src(%dma_wait3A_257 : memref<257xi32, #tpu.memory_space<hbm>>) dst(%dma_wait3A_256 : memref<257xi32, #tpu.memory_space<vmem>>)
      tpu.yield
    }) : () -> ()
    %dma_start3A = arith.constant 0 : i32
    %dma_start3A_70 = tpu.memref_slice %arg3[%dma_start3A] : memref<106496xf32, #tpu.memory_space<hbm>> -> memref<106496xf32, #tpu.memory_space<hbm>>
    tpu.enqueue_indirect_dma source(%dma_start3A_70 : memref<106496xf32, #tpu.memory_space<hbm>>) target(%arg6 : memref<272xf32, #tpu.memory_space<vmem>>) offsets(%arg5 : memref<272xi32, #tpu.memory_space<vmem>>) semaphore(%arg8 : memref<!tpu.dma_semaphore, #tpu.memory_space<semaphore_mem>>)
    %dma_wait3A = arith.constant 0 : i32
    %dma_wait3A_71 = tpu.memref_slice %arg3[%dma_wait3A] : memref<106496xf32, #tpu.memory_space<hbm>> -> memref<106496xf32, #tpu.memory_space<hbm>>
    tpu.wait_indirect_dma semaphore(%arg8 : memref<!tpu.dma_semaphore, #tpu.memory_space<semaphore_mem>>) src(%dma_wait3A_71 : memref<106496xf32, #tpu.memory_space<hbm>>) dst(%arg6 : memref<272xf32, #tpu.memory_space<vmem>>)
    %get3A = arith.constant 0 : index
    %get3A_72 = tpu.vector_load %arg6[%get3A] {strides = array<i32>} : memref<272xf32, #tpu.memory_space<vmem>>, vector<16xf32>,
    %get3A_73 = vector.shape_cast %get3A_72 : vector<16xf32> to vector<16xf32>
    %get3A_74 = arith.constant 1 : index
    %get3A_75 = tpu.vector_load %arg6[%get3A_74] {strides = array<i32>} : memref<272xf32, #tpu.memory_space<vmem>>, vector<16xf32>,
    %get3A_76 = vector.shape_cast %get3A_75 : vector<16xf32> to vector<16xf32>
    %sub3A = arith.subf %get3A_76, %get3A_73 : vector<16xf32>
    %swap3A_77 = arith.constant 0 : index
    %swap3A_78 = tpu.vector_load %arg7[%swap3A_77] {strides = array<i32>} : memref<256xf32, #tpu.memory_space<vmem>>, vector<16xf32>,
    %swap3A_79 = vector.shape_cast %swap3A_78 : vector<16xf32> to vector<16xf32>
    %swap3A_80 = vector.shape_cast %sub3A : vector<16xf32> to vector<16xf32>
    tpu.vector_store %arg7[%swap3A_77], %swap3A_80 {strides = array<i32>} : memref<256xf32, #tpu.memory_space<vmem>>, vector<16xf32>,
    %get3A_81 = arith.constant 16 : index
    %get3A_82 = tpu.vector_load %arg6[%get3A_81] {strides = array<i32>} : memref<272xf32, #tpu.memory_space<vmem>>, vector<16xf32>,
    %get3A_83 = vector.shape_cast %get3A_82 : vector<16xf32> to vector<16xf32>
    %get3A_84 = arith.constant 17 : index
    %get3A_85 = tpu.vector_load %arg6[%get3A_84] {strides = array<i32>} : memref<272xf32, #tpu.memory_space<vmem>>, vector<16xf32>,
    %get3A_86 = vector.shape_cast %get3A_85 : vector<16xf32> to vector<16xf32>
    %sub3A_87 = arith.subf %get3A_86, %get3A_83 : vector<16xf32>
    %swap3A_88 = arith.constant 16 : index
    %swap3A_89 = tpu.vector_load %arg7[%swap3A_88] {strides = array<i32>} : memref<256xf32, #tpu.memory_space<vmem>>, vector<16xf32>,
    %swap3A_90 = vector.shape_cast %swap3A_89 : vector<16xf32> to vector<16xf32>
    %swap3A_91 = vector.shape_cast %sub3A_87 : vector<16xf32> to vector<16xf32>
    tpu.vector_store %arg7[%swap3A_88], %swap3A_91 {strides = array<i32>} : memref<256xf32, #tpu.memory_space<vmem>>, vector<16xf32>,
    %get3A_92 = arith.constant 32 : index
    %get3A_93 = tpu.vector_load %arg6[%get3A_92] {strides = array<i32>} : memref<272xf32, #tpu.memory_space<vmem>>, vector<16xf32>,
    %get3A_94 = vector.shape_cast %get3A_93 : vector<16xf32> to vector<16xf32>
    %get3A_95 = arith.constant 33 : index
    %get3A_96 = tpu.vector_load %arg6[%get3A_95] {strides = array<i32>} : memref<272xf32, #tpu.memory_space<vmem>>, vector<16xf32>,
    %get3A_97 = vector.shape_cast %get3A_96 : vector<16xf32> to vector<16xf32>
    %sub3A_98 = arith.subf %get3A_97, %get3A_94 : vector<16xf32>
    %swap3A_99 = arith.constant 32 : index
    %swap3A_100 = tpu.vector_load %arg7[%swap3A_99] {strides = array<i32>} : memref<256xf32, #tpu.memory_space<vmem>>, vector<16xf32>,
    %swap3A_101 = vector.shape_cast %swap3A_100 : vector<16xf32> to vector<16xf32>
    %swap3A_102 = vector.shape_cast %sub3A_98 : vector<16xf32> to vector<16xf32>
    tpu.vector_store %arg7[%swap3A_99], %swap3A_102 {strides = array<i32>} : memref<256xf32, #tpu.memory_space<vmem>>, vector<16xf32>,
    %get3A_103 = arith.constant 48 : index
    %get3A_104 = tpu.vector_load %arg6[%get3A_103] {strides = array<i32>} : memref<272xf32, #tpu.memory_space<vmem>>, vector<16xf32>,
    %get3A_105 = vector.shape_cast %get3A_104 : vector<16xf32> to vector<16xf32>
    %get3A_106 = arith.constant 49 : index
    %get3A_107 = tpu.vector_load %arg6[%get3A_106] {strides = array<i32>} : memref<272xf32, #tpu.memory_space<vmem>>, vector<16xf32>,
    %get3A_108 = vector.shape_cast %get3A_107 : vector<16xf32> to vector<16xf32>
    %sub3A_109 = arith.subf %get3A_108, %get3A_105 : vector<16xf32>
    %swap3A_110 = arith.constant 48 : index
    %swap3A_111 = tpu.vector_load %arg7[%swap3A_110] {strides = array<i32>} : memref<256xf32, #tpu.memory_space<vmem>>, vector<16xf32>,
    %swap3A_112 = vector.shape_cast %swap3A_111 : vector<16xf32> to vector<16xf32>
    %swap3A_113 = vector.shape_cast %sub3A_109 : vector<16xf32> to vector<16xf32>
    tpu.vector_store %arg7[%swap3A_110], %swap3A_113 {strides = array<i32>} : memref<256xf32, #tpu.memory_space<vmem>>, vector<16xf32>,
    %get3A_114 = arith.constant 64 : index
    %get3A_115 = tpu.vector_load %arg6[%get3A_114] {strides = array<i32>} : memref<272xf32, #tpu.memory_space<vmem>>, vector<16xf32>,
    %get3A_116 = vector.shape_cast %get3A_115 : vector<16xf32> to vector<16xf32>
    %get3A_117 = arith.constant 65 : index
    %get3A_118 = tpu.vector_load %arg6[%get3A_117] {strides = array<i32>} : memref<272xf32, #tpu.memory_space<vmem>>, vector<16xf32>,
    %get3A_119 = vector.shape_cast %get3A_118 : vector<16xf32> to vector<16xf32>
    %sub3A_120 = arith.subf %get3A_119, %get3A_116 : vector<16xf32>
    %swap3A_121 = arith.constant 64 : index
    %swap3A_122 = tpu.vector_load %arg7[%swap3A_121] {strides = array<i32>} : memref<256xf32, #tpu.memory_space<vmem>>, vector<16xf32>,
    %swap3A_123 = vector.shape_cast %swap3A_122 : vector<16xf32> to vector<16xf32>
    %swap3A_124 = vector.shape_cast %sub3A_120 : vector<16xf32> to vector<16xf32>
    tpu.vector_store %arg7[%swap3A_121], %swap3A_124 {strides = array<i32>} : memref<256xf32, #tpu.memory_space<vmem>>, vector<16xf32>,
    %get3A_125 = arith.constant 80 : index
    %get3A_126 = tpu.vector_load %arg6[%get3A_125] {strides = array<i32>} : memref<272xf32, #tpu.memory_space<vmem>>, vector<16xf32>,
    %get3A_127 = vector.shape_cast %get3A_126 : vector<16xf32> to vector<16xf32>
    %get3A_128 = arith.constant 81 : index
    %get3A_129 = tpu.vector_load %arg6[%get3A_128] {strides = array<i32>} : memref<272xf32, #tpu.memory_space<vmem>>, vector<16xf32>,
    %get3A_130 = vector.shape_cast %get3A_129 : vector<16xf32> to vector<16xf32>
    %sub3A_131 = arith.subf %get3A_130, %get3A_127 : vector<16xf32>
    %swap3A_132 = arith.constant 80 : index
    %swap3A_133 = tpu.vector_load %arg7[%swap3A_132] {strides = array<i32>} : memref<256xf32, #tpu.memory_space<vmem>>, vector<16xf32>,
    %swap3A_134 = vector.shape_cast %swap3A_133 : vector<16xf32> to vector<16xf32>
    %swap3A_135 = vector.shape_cast %sub3A_131 : vector<16xf32> to vector<16xf32>
    tpu.vector_store %arg7[%swap3A_132], %swap3A_135 {strides = array<i32>} : memref<256xf32, #tpu.memory_space<vmem>>, vector<16xf32>,
    %get3A_136 = arith.constant 96 : index
    %get3A_137 = tpu.vector_load %arg6[%get3A_136] {strides = array<i32>} : memref<272xf32, #tpu.memory_space<vmem>>, vector<16xf32>,
    %get3A_138 = vector.shape_cast %get3A_137 : vector<16xf32> to vector<16xf32>
    %get3A_139 = arith.constant 97 : index
    %get3A_140 = tpu.vector_load %arg6[%get3A_139] {strides = array<i32>} : memref<272xf32, #tpu.memory_space<vmem>>, vector<16xf32>,
    %get3A_141 = vector.shape_cast %get3A_140 : vector<16xf32> to vector<16xf32>
    %sub3A_142 = arith.subf %get3A_141, %get3A_138 : vector<16xf32>
    %swap3A_143 = arith.constant 96 : index
    %swap3A_144 = tpu.vector_load %arg7[%swap3A_143] {strides = array<i32>} : memref<256xf32, #tpu.memory_space<vmem>>, vector<16xf32>,
    %swap3A_145 = vector.shape_cast %swap3A_144 : vector<16xf32> to vector<16xf32>
    %swap3A_146 = vector.shape_cast %sub3A_142 : vector<16xf32> to vector<16xf32>
    tpu.vector_store %arg7[%swap3A_143], %swap3A_146 {strides = array<i32>} : memref<256xf32, #tpu.memory_space<vmem>>, vector<16xf32>,
    %get3A_147 = arith.constant 112 : index
    %get3A_148 = tpu.vector_load %arg6[%get3A_147] {strides = array<i32>} : memref<272xf32, #tpu.memory_space<vmem>>, vector<16xf32>,
    %get3A_149 = vector.shape_cast %get3A_148 : vector<16xf32> to vector<16xf32>
    %get3A_150 = arith.constant 113 : index
    %get3A_151 = tpu.vector_load %arg6[%get3A_150] {strides = array<i32>} : memref<272xf32, #tpu.memory_space<vmem>>, vector<16xf32>,
    %get3A_152 = vector.shape_cast %get3A_151 : vector<16xf32> to vector<16xf32>
    %sub3A_153 = arith.subf %get3A_152, %get3A_149 : vector<16xf32>
    %swap3A_154 = arith.constant 112 : index
    %swap3A_155 = tpu.vector_load %arg7[%swap3A_154] {strides = array<i32>} : memref<256xf32, #tpu.memory_space<vmem>>, vector<16xf32>,
    %swap3A_156 = vector.shape_cast %swap3A_155 : vector<16xf32> to vector<16xf32>
    %swap3A_157 = vector.shape_cast %sub3A_153 : vector<16xf32> to vector<16xf32>
    tpu.vector_store %arg7[%swap3A_154], %swap3A_157 {strides = array<i32>} : memref<256xf32, #tpu.memory_space<vmem>>, vector<16xf32>,
    %get3A_158 = arith.constant 128 : index
    %get3A_159 = tpu.vector_load %arg6[%get3A_158] {strides = array<i32>} : memref<272xf32, #tpu.memory_space<vmem>>, vector<16xf32>,
    %get3A_160 = vector.shape_cast %get3A_159 : vector<16xf32> to vector<16xf32>
    %get3A_161 = arith.constant 129 : index
    %get3A_162 = tpu.vector_load %arg6[%get3A_161] {strides = array<i32>} : memref<272xf32, #tpu.memory_space<vmem>>, vector<16xf32>,
    %get3A_163 = vector.shape_cast %get3A_162 : vector<16xf32> to vector<16xf32>
    %sub3A_164 = arith.subf %get3A_163, %get3A_160 : vector<16xf32>
    %swap3A_165 = arith.constant 128 : index
    %swap3A_166 = tpu.vector_load %arg7[%swap3A_165] {strides = array<i32>} : memref<256xf32, #tpu.memory_space<vmem>>, vector<16xf32>,
    %swap3A_167 = vector.shape_cast %swap3A_166 : vector<16xf32> to vector<16xf32>
    %swap3A_168 = vector.shape_cast %sub3A_164 : vector<16xf32> to vector<16xf32>
    tpu.vector_store %arg7[%swap3A_165], %swap3A_168 {strides = array<i32>} : memref<256xf32, #tpu.memory_space<vmem>>, vector<16xf32>,
    %get3A_169 = arith.constant 144 : index
    %get3A_170 = tpu.vector_load %arg6[%get3A_169] {strides = array<i32>} : memref<272xf32, #tpu.memory_space<vmem>>, vector<16xf32>,
    %get3A_171 = vector.shape_cast %get3A_170 : vector<16xf32> to vector<16xf32>
    %get3A_172 = arith.constant 145 : index
    %get3A_173 = tpu.vector_load %arg6[%get3A_172] {strides = array<i32>} : memref<272xf32, #tpu.memory_space<vmem>>, vector<16xf32>,
    %get3A_174 = vector.shape_cast %get3A_173 : vector<16xf32> to vector<16xf32>
    %sub3A_175 = arith.subf %get3A_174, %get3A_171 : vector<16xf32>
    %swap3A_176 = arith.constant 144 : index
    %swap3A_177 = tpu.vector_load %arg7[%swap3A_176] {strides = array<i32>} : memref<256xf32, #tpu.memory_space<vmem>>, vector<16xf32>,
    %swap3A_178 = vector.shape_cast %swap3A_177 : vector<16xf32> to vector<16xf32>
    %swap3A_179 = vector.shape_cast %sub3A_175 : vector<16xf32> to vector<16xf32>
    tpu.vector_store %arg7[%swap3A_176], %swap3A_179 {strides = array<i32>} : memref<256xf32, #tpu.memory_space<vmem>>, vector<16xf32>,
    %get3A_180 = arith.constant 160 : index
    %get3A_181 = tpu.vector_load %arg6[%get3A_180] {strides = array<i32>} : memref<272xf32, #tpu.memory_space<vmem>>, vector<16xf32>,
    %get3A_182 = vector.shape_cast %get3A_181 : vector<16xf32> to vector<16xf32>
    %get3A_183 = arith.constant 161 : index
    %get3A_184 = tpu.vector_load %arg6[%get3A_183] {strides = array<i32>} : memref<272xf32, #tpu.memory_space<vmem>>, vector<16xf32>,
    %get3A_185 = vector.shape_cast %get3A_184 : vector<16xf32> to vector<16xf32>
    %sub3A_186 = arith.subf %get3A_185, %get3A_182 : vector<16xf32>
    %swap3A_187 = arith.constant 160 : index
    %swap3A_188 = tpu.vector_load %arg7[%swap3A_187] {strides = array<i32>} : memref<256xf32, #tpu.memory_space<vmem>>, vector<16xf32>,
    %swap3A_189 = vector.shape_cast %swap3A_188 : vector<16xf32> to vector<16xf32>
    %swap3A_190 = vector.shape_cast %sub3A_186 : vector<16xf32> to vector<16xf32>
    tpu.vector_store %arg7[%swap3A_187], %swap3A_190 {strides = array<i32>} : memref<256xf32, #tpu.memory_space<vmem>>, vector<16xf32>,
    %get3A_191 = arith.constant 176 : index
    %get3A_192 = tpu.vector_load %arg6[%get3A_191] {strides = array<i32>} : memref<272xf32, #tpu.memory_space<vmem>>, vector<16xf32>,
    %get3A_193 = vector.shape_cast %get3A_192 : vector<16xf32> to vector<16xf32>
    %get3A_194 = arith.constant 177 : index
    %get3A_195 = tpu.vector_load %arg6[%get3A_194] {strides = array<i32>} : memref<272xf32, #tpu.memory_space<vmem>>, vector<16xf32>,
    %get3A_196 = vector.shape_cast %get3A_195 : vector<16xf32> to vector<16xf32>
    %sub3A_197 = arith.subf %get3A_196, %get3A_193 : vector<16xf32>
    %swap3A_198 = arith.constant 176 : index
    %swap3A_199 = tpu.vector_load %arg7[%swap3A_198] {strides = array<i32>} : memref<256xf32, #tpu.memory_space<vmem>>, vector<16xf32>,
    %swap3A_200 = vector.shape_cast %swap3A_199 : vector<16xf32> to vector<16xf32>
    %swap3A_201 = vector.shape_cast %sub3A_197 : vector<16xf32> to vector<16xf32>
    tpu.vector_store %arg7[%swap3A_198], %swap3A_201 {strides = array<i32>} : memref<256xf32, #tpu.memory_space<vmem>>, vector<16xf32>,
    %get3A_202 = arith.constant 192 : index
    %get3A_203 = tpu.vector_load %arg6[%get3A_202] {strides = array<i32>} : memref<272xf32, #tpu.memory_space<vmem>>, vector<16xf32>,
    %get3A_204 = vector.shape_cast %get3A_203 : vector<16xf32> to vector<16xf32>
    %get3A_205 = arith.constant 193 : index
    %get3A_206 = tpu.vector_load %arg6[%get3A_205] {strides = array<i32>} : memref<272xf32, #tpu.memory_space<vmem>>, vector<16xf32>,
    %get3A_207 = vector.shape_cast %get3A_206 : vector<16xf32> to vector<16xf32>
    %sub3A_208 = arith.subf %get3A_207, %get3A_204 : vector<16xf32>
    %swap3A_209 = arith.constant 192 : index
    %swap3A_210 = tpu.vector_load %arg7[%swap3A_209] {strides = array<i32>} : memref<256xf32, #tpu.memory_space<vmem>>, vector<16xf32>,
    %swap3A_211 = vector.shape_cast %swap3A_210 : vector<16xf32> to vector<16xf32>
    %swap3A_212 = vector.shape_cast %sub3A_208 : vector<16xf32> to vector<16xf32>
    tpu.vector_store %arg7[%swap3A_209], %swap3A_212 {strides = array<i32>} : memref<256xf32, #tpu.memory_space<vmem>>, vector<16xf32>,
    %get3A_213 = arith.constant 208 : index
    %get3A_214 = tpu.vector_load %arg6[%get3A_213] {strides = array<i32>} : memref<272xf32, #tpu.memory_space<vmem>>, vector<16xf32>,
    %get3A_215 = vector.shape_cast %get3A_214 : vector<16xf32> to vector<16xf32>
    %get3A_216 = arith.constant 209 : index
    %get3A_217 = tpu.vector_load %arg6[%get3A_216] {strides = array<i32>} : memref<272xf32, #tpu.memory_space<vmem>>, vector<16xf32>,
    %get3A_218 = vector.shape_cast %get3A_217 : vector<16xf32> to vector<16xf32>
    %sub3A_219 = arith.subf %get3A_218, %get3A_215 : vector<16xf32>
    %swap3A_220 = arith.constant 208 : index
    %swap3A_221 = tpu.vector_load %arg7[%swap3A_220] {strides = array<i32>} : memref<256xf32, #tpu.memory_space<vmem>>, vector<16xf32>,
    %swap3A_222 = vector.shape_cast %swap3A_221 : vector<16xf32> to vector<16xf32>
    %swap3A_223 = vector.shape_cast %sub3A_219 : vector<16xf32> to vector<16xf32>
    tpu.vector_store %arg7[%swap3A_220], %swap3A_223 {strides = array<i32>} : memref<256xf32, #tpu.memory_space<vmem>>, vector<16xf32>,
    %get3A_224 = arith.constant 224 : index
    %get3A_225 = tpu.vector_load %arg6[%get3A_224] {strides = array<i32>} : memref<272xf32, #tpu.memory_space<vmem>>, vector<16xf32>,
    %get3A_226 = vector.shape_cast %get3A_225 : vector<16xf32> to vector<16xf32>
    %get3A_227 = arith.constant 225 : index
    %get3A_228 = tpu.vector_load %arg6[%get3A_227] {strides = array<i32>} : memref<272xf32, #tpu.memory_space<vmem>>, vector<16xf32>,
    %get3A_229 = vector.shape_cast %get3A_228 : vector<16xf32> to vector<16xf32>
    %sub3A_230 = arith.subf %get3A_229, %get3A_226 : vector<16xf32>
    %swap3A_231 = arith.constant 224 : index
    %swap3A_232 = tpu.vector_load %arg7[%swap3A_231] {strides = array<i32>} : memref<256xf32, #tpu.memory_space<vmem>>, vector<16xf32>,
    %swap3A_233 = vector.shape_cast %swap3A_232 : vector<16xf32> to vector<16xf32>
    %swap3A_234 = vector.shape_cast %sub3A_230 : vector<16xf32> to vector<16xf32>
    tpu.vector_store %arg7[%swap3A_231], %swap3A_234 {strides = array<i32>} : memref<256xf32, #tpu.memory_space<vmem>>, vector<16xf32>,
    %get3A_235 = arith.constant 240 : index
    %get3A_236 = tpu.vector_load %arg6[%get3A_235] {strides = array<i32>} : memref<272xf32, #tpu.memory_space<vmem>>, vector<16xf32>,
    %get3A_237 = vector.shape_cast %get3A_236 : vector<16xf32> to vector<16xf32>
    %get3A_238 = arith.constant 241 : index
    %get3A_239 = tpu.vector_load %arg6[%get3A_238] {strides = array<i32>} : memref<272xf32, #tpu.memory_space<vmem>>, vector<16xf32>,
    %get3A_240 = vector.shape_cast %get3A_239 : vector<16xf32> to vector<16xf32>
    %sub3A_241 = arith.subf %get3A_240, %get3A_237 : vector<16xf32>
    %swap3A_242 = arith.constant 240 : index
    %swap3A_243 = tpu.vector_load %arg7[%swap3A_242] {strides = array<i32>} : memref<256xf32, #tpu.memory_space<vmem>>, vector<16xf32>,
    %swap3A_244 = vector.shape_cast %swap3A_243 : vector<16xf32> to vector<16xf32>
    %swap3A_245 = vector.shape_cast %sub3A_241 : vector<16xf32> to vector<16xf32>
    tpu.vector_store %arg7[%swap3A_242], %swap3A_245 {strides = array<i32>} : memref<256xf32, #tpu.memory_space<vmem>>, vector<16xf32>,
    "tpu.region"() ({
      %run_scoped3A = tpu.sem_alloc : memref<!tpu.dma_semaphore, #tpu.memory_space<semaphore_mem>>
      %dma_start3A_246 = tpu.memref_slice %arg4[%min3A_1] : memref<2000xf32, #tpu.memory_space<hbm>> -> memref<256xf32, #tpu.memory_space<hbm>>
      %dma_start3A_247 = tpu.memref_slice %arg4[%min3A_1] : memref<2000xf32, #tpu.memory_space<hbm>> -> memref<256xf32, #tpu.memory_space<hbm>>
      tpu.enqueue_dma source(%arg7 : memref<256xf32, #tpu.memory_space<vmem>>) target(%dma_start3A_247 : memref<256xf32, #tpu.memory_space<hbm>>) target_semaphore(%run_scoped3A : memref<!tpu.dma_semaphore, #tpu.memory_space<semaphore_mem>>)
      %dma_wait3A_248 = tpu.memref_slice %arg4[%min3A_1] : memref<2000xf32, #tpu.memory_space<hbm>> -> memref<256xf32, #tpu.memory_space<hbm>>
      %dma_wait3A_249 = tpu.memref_slice %arg4[%min3A_1] : memref<2000xf32, #tpu.memory_space<hbm>> -> memref<256xf32, #tpu.memory_space<hbm>>
      tpu.wait_dma2 semaphore(%run_scoped3A : memref<!tpu.dma_semaphore, #tpu.memory_space<semaphore_mem>>) src(%arg7 : memref<256xf32, #tpu.memory_space<vmem>>) dst(%dma_wait3A_249 : memref<256xf32, #tpu.memory_space<hbm>>)
      tpu.yield
    }) : () -> ()
    return
  }
}

module attributes {stable_mosaic.version = 14 : i64} {
  func.func @_tc_prefix_body(%arg0: i32, %arg1: memref<8192x256xf32, #tpu.memory_space<vmem>>, %arg2: memref<256x128xf32, #tpu.memory_space<vmem>>, %arg3: memref<128x1xf32, #tpu.memory_space<vmem>>, %arg4: memref<1x128xf32, #tpu.memory_space<vmem>>, %arg5: memref<1x1xf32, #tpu.memory_space<smem>>, %arg6: memref<1x1xi32, #tpu.memory_space<smem>>, %arg7: memref<1x1x8192xf32, #tpu.memory_space<vmem>>, %arg8: memref<1x1xf32, #tpu.memory_space<smem>>) attributes {dimension_semantics = [#tpu.dimension_semantics<arbitrary>], iteration_bounds = array<i64: 13>, scalar_prefetch = 0 : i64, scratch_operands = 1 : i64, tpu.core_type = #tpu.core_type<tc>, window_params = [{transform_indices = @transform_0, window_bounds = array<i64: 8192, 256>}, {pipeline_mode = #tpu.pipeline_mode<synchronous>, transform_indices = @transform_1, window_bounds = array<i64: 256, 128>}, {pipeline_mode = #tpu.pipeline_mode<synchronous>, transform_indices = @transform_2, window_bounds = array<i64: 128, 1>}, {pipeline_mode = #tpu.pipeline_mode<synchronous>, transform_indices = @transform_3, window_bounds = array<i64: 1, 128>}, {transform_indices = @transform_4, window_bounds = array<i64: 1, 1>}, {transform_indices = @transform_5, window_bounds = array<i64: 1, 1>}, {transform_indices = @transform_6, window_bounds = array<i64: 1, 1, 8192>}]} {
    %eq3A = arith.constant 0 : i32
    %eq3A_0 = arith.cmpi eq, %arg0, %eq3A : i32
    %convert_element_type3A = arith.extui %eq3A_0 : i1 to i32
    %cond3A = arith.constant 0 : i32
    %cond3A_1 = arith.cmpi ne, %convert_element_type3A, %cond3A : i32
    scf.if %cond3A_1 {
      %swap3A_104 = arith.constant 0.000000e+00 : f32
      %swap3A_105 = arith.constant 0 : index
      %swap3A_106 = arith.constant 0 : index
      %swap3A_107 = memref.load %arg8[%swap3A_105, %swap3A_106] : memref<1x1xf32, #tpu.memory_space<smem>>
      memref.store %swap3A_104, %arg8[%swap3A_105, %swap3A_106] : memref<1x1xf32, #tpu.memory_space<smem>>
    } else {
    }
    %get3A = arith.constant 0 : index
    %get3A_2 = arith.constant 0 : index
    %get3A_3 = vector.load %arg1[%get3A, %get3A_2] : memref<8192x256xf32, #tpu.memory_space<vmem>>, vector<8192x256xf32>
    %get3A_4 = arith.constant 0 : index
    %get3A_5 = arith.constant 0 : index
    %get3A_6 = vector.load %arg2[%get3A_4, %get3A_5] : memref<256x128xf32, #tpu.memory_space<vmem>>, vector<256x128xf32>
    %dot_general3A = arith.constant dense<0.000000e+00> : vector<128x8192xf32>
    %dot_general3A_7 = tpu.matmul %get3A_6, %get3A_3, %dot_general3A {dimension_numbers = #tpu.dot_dimension_numbers<[0], [1], [1], [0], [0, 1, 1, 0], [], []>, transpose_lhs_hint = false} : vector<256x128xf32>, vector<8192x256xf32>, vector<128x8192xf32> -> vector<128x8192xf32>
    %get3A_8 = arith.constant 0 : index
    %get3A_9 = arith.constant 0 : index
    %get3A_10 = vector.load %arg3[%get3A_8, %get3A_9] : memref<128x1xf32, #tpu.memory_space<vmem>>, vector<128x1xf32>
    %add3A = vector.broadcast %get3A_10 : vector<128x1xf32> to vector<128x8192xf32>
    %add3A_11 = arith.addf %dot_general3A_7, %add3A : vector<128x8192xf32>
    %mul3A = arith.constant 5.000000e-01 : f32
    %mul3A_12 = vector.broadcast %mul3A : f32 to vector<128x8192xf32>
    %mul3A_13 = arith.mulf %add3A_11, %mul3A_12 : vector<128x8192xf32>
    %tanh3A = math.tanh %mul3A_13 : vector<128x8192xf32>
    %mul3A_14 = arith.mulf %mul3A_13, %tanh3A : vector<128x8192xf32>
    %add3A_15 = arith.addf %mul3A_13, %mul3A_14 : vector<128x8192xf32>
    %get3A_16 = arith.constant 0 : index
    %get3A_17 = arith.constant 0 : index
    %get3A_18 = vector.load %arg4[%get3A_16, %get3A_17] : memref<1x128xf32, #tpu.memory_space<vmem>>, vector<1x128xf32>
    %convert_element_type3A_19 = arith.truncf %get3A_18 : vector<1x128xf32> to vector<1x128xbf16>
    %convert_element_type3A_20 = arith.truncf %add3A_15 : vector<128x8192xf32> to vector<128x8192xbf16>
    %dot_general3A_21 = arith.constant dense<0.000000e+00> : vector<1x8192xf32>
    %dot_general3A_22 = tpu.matmul %convert_element_type3A_19, %convert_element_type3A_20, %dot_general3A_21 {dimension_numbers = #tpu.dot_dimension_numbers<[1], [0], [0], [1], [0, 0, 1, 1], [], []>, transpose_lhs_hint = false} : vector<1x128xbf16>, vector<128x8192xbf16>, vector<1x8192xf32> -> vector<1x8192xf32>
    %get3A_23 = arith.constant 0 : index
    %get3A_24 = arith.constant 0 : index
    %get3A_25 = memref.load %arg5[%get3A_23, %get3A_24] : memref<1x1xf32, #tpu.memory_space<smem>>
    %add3A_26 = vector.broadcast %get3A_25 : f32 to vector<1x8192xf32>
    %add3A_27 = arith.addf %dot_general3A_22, %add3A_26 : vector<1x8192xf32>
    %iota3A = tpu.iota {dimensions = array<i32: 1>} : vector<1x8192xi32>
    %mul3A_28 = arith.constant 8192 : i32
    %mul3A_29 = arith.muli %arg0, %mul3A_28 : i32
    %add3A_30 = vector.broadcast %mul3A_29 : i32 to vector<1x8192xi32>
    %add3A_31 = arith.addi %iota3A, %add3A_30 : vector<1x8192xi32>
    %get3A_32 = arith.constant 0 : index
    %get3A_33 = arith.constant 0 : index
    %get3A_34 = memref.load %arg6[%get3A_32, %get3A_33] : memref<1x1xi32, #tpu.memory_space<smem>>
    %lt3A = vector.broadcast %get3A_34 : i32 to vector<1x8192xi32>
    %lt3A_35 = arith.cmpi slt, %add3A_31, %lt3A : vector<1x8192xi32>
    %jit3A = arith.constant 0.000000e+00 : f32
    %broadcast_in_dim3A = vector.broadcast %jit3A : f32 to vector<1x8192xf32>
    %select_n3A = arith.select %lt3A_35, %add3A_27, %broadcast_in_dim3A : vector<1x8192xi1>, vector<1x8192xf32>
    %broadcast_in_dim3A_36 = arith.constant 0.000000e+00 : f32
    %broadcast_in_dim3A_37 = vector.broadcast %broadcast_in_dim3A_36 : f32 to vector<1x8192xf32>
    %slice3A = vector.extract_strided_slice %broadcast_in_dim3A_37 {offsets = [0, 0], sizes = [1, 1], strides = [1, 1]} : vector<1x8192xf32> to vector<1x1xf32>
    %slice3A_38 = vector.extract_strided_slice %select_n3A {offsets = [0, 0], sizes = [1, 8191], strides = [1, 1]} : vector<1x8192xf32> to vector<1x8191xf32>
    %concatenate3A = tpu.concatenate %slice3A, %slice3A_38 in 1 : vector<1x1xf32>, vector<1x8191xf32> -> vector<1x8192xf32>
    %add3A_39 = arith.addf %select_n3A, %concatenate3A : vector<1x8192xf32>
    %slice3A_40 = vector.extract_strided_slice %broadcast_in_dim3A_37 {offsets = [0, 0], sizes = [1, 2], strides = [1, 1]} : vector<1x8192xf32> to vector<1x2xf32>
    %slice3A_41 = vector.extract_strided_slice %add3A_39 {offsets = [0, 0], sizes = [1, 8190], strides = [1, 1]} : vector<1x8192xf32> to vector<1x8190xf32>
    %concatenate3A_42 = tpu.concatenate %slice3A_40, %slice3A_41 in 1 : vector<1x2xf32>, vector<1x8190xf32> -> vector<1x8192xf32>
    %add3A_43 = arith.addf %add3A_39, %concatenate3A_42 : vector<1x8192xf32>
    %slice3A_44 = vector.extract_strided_slice %broadcast_in_dim3A_37 {offsets = [0, 0], sizes = [1, 4], strides = [1, 1]} : vector<1x8192xf32> to vector<1x4xf32>
    %slice3A_45 = vector.extract_strided_slice %add3A_43 {offsets = [0, 0], sizes = [1, 8188], strides = [1, 1]} : vector<1x8192xf32> to vector<1x8188xf32>
    %concatenate3A_46 = tpu.concatenate %slice3A_44, %slice3A_45 in 1 : vector<1x4xf32>, vector<1x8188xf32> -> vector<1x8192xf32>
    %add3A_47 = arith.addf %add3A_43, %concatenate3A_46 : vector<1x8192xf32>
    %slice3A_48 = vector.extract_strided_slice %broadcast_in_dim3A_37 {offsets = [0, 0], sizes = [1, 8], strides = [1, 1]} : vector<1x8192xf32> to vector<1x8xf32>
    %slice3A_49 = vector.extract_strided_slice %add3A_47 {offsets = [0, 0], sizes = [1, 8184], strides = [1, 1]} : vector<1x8192xf32> to vector<1x8184xf32>
    %concatenate3A_50 = tpu.concatenate %slice3A_48, %slice3A_49 in 1 : vector<1x8xf32>, vector<1x8184xf32> -> vector<1x8192xf32>
    %add3A_51 = arith.addf %add3A_47, %concatenate3A_50 : vector<1x8192xf32>
    %slice3A_52 = vector.extract_strided_slice %broadcast_in_dim3A_37 {offsets = [0, 0], sizes = [1, 16], strides = [1, 1]} : vector<1x8192xf32> to vector<1x16xf32>
    %slice3A_53 = vector.extract_strided_slice %add3A_51 {offsets = [0, 0], sizes = [1, 8176], strides = [1, 1]} : vector<1x8192xf32> to vector<1x8176xf32>
    %concatenate3A_54 = tpu.concatenate %slice3A_52, %slice3A_53 in 1 : vector<1x16xf32>, vector<1x8176xf32> -> vector<1x8192xf32>
    %add3A_55 = arith.addf %add3A_51, %concatenate3A_54 : vector<1x8192xf32>
    %slice3A_56 = vector.extract_strided_slice %broadcast_in_dim3A_37 {offsets = [0, 0], sizes = [1, 32], strides = [1, 1]} : vector<1x8192xf32> to vector<1x32xf32>
    %slice3A_57 = vector.extract_strided_slice %add3A_55 {offsets = [0, 0], sizes = [1, 8160], strides = [1, 1]} : vector<1x8192xf32> to vector<1x8160xf32>
    %concatenate3A_58 = tpu.concatenate %slice3A_56, %slice3A_57 in 1 : vector<1x32xf32>, vector<1x8160xf32> -> vector<1x8192xf32>
    %add3A_59 = arith.addf %add3A_55, %concatenate3A_58 : vector<1x8192xf32>
    %slice3A_60 = vector.extract_strided_slice %broadcast_in_dim3A_37 {offsets = [0, 0], sizes = [1, 64], strides = [1, 1]} : vector<1x8192xf32> to vector<1x64xf32>
    %slice3A_61 = vector.extract_strided_slice %add3A_59 {offsets = [0, 0], sizes = [1, 8128], strides = [1, 1]} : vector<1x8192xf32> to vector<1x8128xf32>
    %concatenate3A_62 = tpu.concatenate %slice3A_60, %slice3A_61 in 1 : vector<1x64xf32>, vector<1x8128xf32> -> vector<1x8192xf32>
    %add3A_63 = arith.addf %add3A_59, %concatenate3A_62 : vector<1x8192xf32>
    %slice3A_64 = vector.extract_strided_slice %broadcast_in_dim3A_37 {offsets = [0, 0], sizes = [1, 128], strides = [1, 1]} : vector<1x8192xf32> to vector<1x128xf32>
    %slice3A_65 = vector.extract_strided_slice %add3A_63 {offsets = [0, 0], sizes = [1, 8064], strides = [1, 1]} : vector<1x8192xf32> to vector<1x8064xf32>
    %concatenate3A_66 = tpu.concatenate %slice3A_64, %slice3A_65 in 1 : vector<1x128xf32>, vector<1x8064xf32> -> vector<1x8192xf32>
    %add3A_67 = arith.addf %add3A_63, %concatenate3A_66 : vector<1x8192xf32>
    %slice3A_68 = vector.extract_strided_slice %broadcast_in_dim3A_37 {offsets = [0, 0], sizes = [1, 256], strides = [1, 1]} : vector<1x8192xf32> to vector<1x256xf32>
    %slice3A_69 = vector.extract_strided_slice %add3A_67 {offsets = [0, 0], sizes = [1, 7936], strides = [1, 1]} : vector<1x8192xf32> to vector<1x7936xf32>
    %concatenate3A_70 = tpu.concatenate %slice3A_68, %slice3A_69 in 1 : vector<1x256xf32>, vector<1x7936xf32> -> vector<1x8192xf32>
    %add3A_71 = arith.addf %add3A_67, %concatenate3A_70 : vector<1x8192xf32>
    %slice3A_72 = vector.extract_strided_slice %broadcast_in_dim3A_37 {offsets = [0, 0], sizes = [1, 512], strides = [1, 1]} : vector<1x8192xf32> to vector<1x512xf32>
    %slice3A_73 = vector.extract_strided_slice %add3A_71 {offsets = [0, 0], sizes = [1, 7680], strides = [1, 1]} : vector<1x8192xf32> to vector<1x7680xf32>
    %concatenate3A_74 = tpu.concatenate %slice3A_72, %slice3A_73 in 1 : vector<1x512xf32>, vector<1x7680xf32> -> vector<1x8192xf32>
    %add3A_75 = arith.addf %add3A_71, %concatenate3A_74 : vector<1x8192xf32>
    %slice3A_76 = vector.extract_strided_slice %broadcast_in_dim3A_37 {offsets = [0, 0], sizes = [1, 1024], strides = [1, 1]} : vector<1x8192xf32> to vector<1x1024xf32>
    %slice3A_77 = vector.extract_strided_slice %add3A_75 {offsets = [0, 0], sizes = [1, 7168], strides = [1, 1]} : vector<1x8192xf32> to vector<1x7168xf32>
    %concatenate3A_78 = tpu.concatenate %slice3A_76, %slice3A_77 in 1 : vector<1x1024xf32>, vector<1x7168xf32> -> vector<1x8192xf32>
    %add3A_79 = arith.addf %add3A_75, %concatenate3A_78 : vector<1x8192xf32>
    %slice3A_80 = vector.extract_strided_slice %broadcast_in_dim3A_37 {offsets = [0, 0], sizes = [1, 2048], strides = [1, 1]} : vector<1x8192xf32> to vector<1x2048xf32>
    %slice3A_81 = vector.extract_strided_slice %add3A_79 {offsets = [0, 0], sizes = [1, 6144], strides = [1, 1]} : vector<1x8192xf32> to vector<1x6144xf32>
    %concatenate3A_82 = tpu.concatenate %slice3A_80, %slice3A_81 in 1 : vector<1x2048xf32>, vector<1x6144xf32> -> vector<1x8192xf32>
    %add3A_83 = arith.addf %add3A_79, %concatenate3A_82 : vector<1x8192xf32>
    %slice3A_84 = vector.extract_strided_slice %broadcast_in_dim3A_37 {offsets = [0, 0], sizes = [1, 4096], strides = [1, 1]} : vector<1x8192xf32> to vector<1x4096xf32>
    %slice3A_85 = vector.extract_strided_slice %add3A_83 {offsets = [0, 0], sizes = [1, 4096], strides = [1, 1]} : vector<1x8192xf32> to vector<1x4096xf32>
    %concatenate3A_86 = tpu.concatenate %slice3A_84, %slice3A_85 in 1 : vector<1x4096xf32>, vector<1x4096xf32> -> vector<1x8192xf32>
    %add3A_87 = arith.addf %add3A_83, %concatenate3A_86 : vector<1x8192xf32>
    %get3A_88 = arith.constant 0 : index
    %get3A_89 = arith.constant 0 : index
    %get3A_90 = memref.load %arg8[%get3A_88, %get3A_89] : memref<1x1xf32, #tpu.memory_space<smem>>
    %sub3A = arith.subf %add3A_87, %select_n3A : vector<1x8192xf32>
    %add3A_91 = vector.broadcast %get3A_90 : f32 to vector<1x8192xf32>
    %add3A_92 = arith.addf %sub3A, %add3A_91 : vector<1x8192xf32>
    %reshape3A = vector.shape_cast %add3A_92 : vector<1x8192xf32> to vector<1x1x8192xf32>
    %swap3A = arith.constant 0 : index
    %swap3A_93 = arith.constant 0 : index
    %swap3A_94 = arith.constant 0 : index
    %swap3A_95 = vector.load %arg7[%swap3A, %swap3A_93, %swap3A_94] : memref<1x1x8192xf32, #tpu.memory_space<vmem>>, vector<1x1x8192xf32>
    tpu.vector_store %arg7[%swap3A, %swap3A_93, %swap3A_94], %reshape3A {strides = array<i32>} : memref<1x1x8192xf32, #tpu.memory_space<vmem>>, vector<1x1x8192xf32>,
    %reduce_sum3A = vector.shape_cast %select_n3A : vector<1x8192xf32> to vector<1x1x8192xf32>
    %reduce_sum3A_96 = arith.constant dense<0.000000e+00> : vector<1xf32>
    %reduce_sum3A_97 = vector.multi_reduction <add>, %reduce_sum3A, %reduce_sum3A_96 [1, 2] : vector<1x1x8192xf32> to vector<1xf32>
    %reduce_sum3A_98 = vector.shape_cast %reduce_sum3A_97 : vector<1xf32> to vector<1x1x1xf32>
    %reduce_sum3A_99 = vector.extract %reduce_sum3A_98[0, 0, 0] : f32 from vector<1x1x1xf32>
    %add3A_100 = arith.addf %get3A_90, %reduce_sum3A_99 : f32
    %swap3A_101 = arith.constant 0 : index
    %swap3A_102 = arith.constant 0 : index
    %swap3A_103 = memref.load %arg8[%swap3A_101, %swap3A_102] : memref<1x1xf32, #tpu.memory_space<smem>>
    memref.store %add3A_100, %arg8[%swap3A_101, %swap3A_102] : memref<1x1xf32, #tpu.memory_space<smem>>
    return
  }
  func.func @transform_0(%arg0: i32) -> (i32, i32) {
    %c0_i32 = arith.constant 0 : i32
    %c0_i32_0 = arith.constant 0 : i32
    return %arg0, %c0_i32 : i32, i32
  }
  func.func @transform_1(%arg0: i32) -> (i32, i32) {
    %c0_i32 = arith.constant 0 : i32
    %c0_i32_0 = arith.constant 0 : i32
    %c0_i32_1 = arith.constant 0 : i32
    return %c0_i32, %c0_i32_0 : i32, i32
  }
  func.func @transform_2(%arg0: i32) -> (i32, i32) {
    %c0_i32 = arith.constant 0 : i32
    %c0_i32_0 = arith.constant 0 : i32
    %c0_i32_1 = arith.constant 0 : i32
    return %c0_i32, %c0_i32_0 : i32, i32
  }
  func.func @transform_3(%arg0: i32) -> (i32, i32) {
    %c0_i32 = arith.constant 0 : i32
    %c0_i32_0 = arith.constant 0 : i32
    %c0_i32_1 = arith.constant 0 : i32
    return %c0_i32, %c0_i32_0 : i32, i32
  }
  func.func @transform_4(%arg0: i32) -> (i32, i32) {
    %c0_i32 = arith.constant 0 : i32
    %c0_i32_0 = arith.constant 0 : i32
    %c0_i32_1 = arith.constant 0 : i32
    return %c0_i32, %c0_i32_0 : i32, i32
  }
  func.func @transform_5(%arg0: i32) -> (i32, i32) {
    %c0_i32 = arith.constant 0 : i32
    %c0_i32_0 = arith.constant 0 : i32
    %c0_i32_1 = arith.constant 0 : i32
    return %c0_i32, %c0_i32_0 : i32, i32
  }
  func.func @transform_6(%arg0: i32) -> (i32, i32, i32) {
    %c0_i32 = arith.constant 0 : i32
    %c0_i32_0 = arith.constant 0 : i32
    %c0_i32_1 = arith.constant 0 : i32
    return %arg0, %c0_i32, %c0_i32_0 : i32, i32, i32
  }
}

</mosaic_0001>

<sc_bundles>
// kernel: kernel.4.cloned.1.call-start
scs
__scs_entry_jumppad:
0x0: {  	(pc) =	sbr.rel $0x88, $3  }
0x1: {  	(tag) =	ssettag $0x0;
	lr =	simm.s32 $0x1  }
0x2: {  	[smem:$0x3F9B] =	sst lr;
	_ =	strace $0xD0000000  }
0x3: {  	_ = 	snop  }
0x4: {  	_ = 	snop  }
0x5: {  	_ = 	snop  }
0x6: {  	_ = 	snop  }
0x7: {  	_ = 	snop  }
__scs_overlays_trampoline_lowered:
0x8: {  	[smem:$0x3FAA] =	sst s0  }
0x9: {  	[smem:$0x3FAB] =	sst s1  }
0xa: {  	[smem:$0x3FAC] =	sst s2  }
0xb: {  	[smem:$0x3FAD] =	sst s3  }
0xc: {  	[smem:$0x3FAE] =	sst s4  }
0xd: {  	[smem:$0x3FAF] =	sst s5  }
0xe: {  	[smem:$0x3FB0] =	sst s6  }
0xf: {  	[smem:$0x3FB1] =	sst s7  }
0x10: {  	[smem:$0x3FB2] =	sst s8  }
0x11: {  	[smem:$0x3FB3] =	sst s9;
	s0 =	simm.s32 @!p0 $0x0  }
0x12: {  	s1 =	sld [smem:$0x3F99];
	s0 =	simm.s32 @p0 $0x1  }
0x13: {  	[smem:$0x3FB4] =	sst s0;
	s0 =	simm.s32 @!p1 $0x0  }
0x14: {  	s2 =	sld [smem:$0x3F98];
	s0 =	simm.s32 @p1 $0x1  }
0x15: {  	[smem:$0x3FB5] =	sst s0;
	s0 =	simm.s32 @!p2 $0x0  }
0x16: {  	s3 =	sld [smem:$0x3FDB];
	s0 =	simm.s32 @p2 $0x1  }
0x17: {  	s4 =	simm.s32 $0x1BF5;
	[smem:$0x3FB7] =	sst s0  }
0x18: {  	s0 =	sld [smem:$0x3F9A];
	_ =	swait.ge [sflag:s4], $0x0  }
0x19: {  	s7 =	sld [smem:$0x3F9B]  }
0x1a: {  	s8 =	sadd.s32 $0xFFFFE003, lr  }
0x1b: {  	s9 =	sadd.s32 $0xFFFFFEF7, lr;
	s5 =	simm.s32 $0xFFFFFFFF;
	p2 =	slt.u32 s8, $0xFFFFF086  }
0x1c: {  	p1 =	slt.u32 s9, $0xF7A;
	s5 =	simm.s32 @!p2 $0x0  }
0x1d: {  	s5 =	simm.s32 @p1 $0x1;
	p0 =	seq.s32 s7, s2  }
0x1e: {  	s7 =	smul.u32 @!p0 $0xF7A, s2;
	p2 =	seq.s32 @!p0 s5, $0x0  }
0x1f: {  	s9 =	smul.u32 $0xF7A, s1;
	s8 =	simm.s32 @!p0 $0x1BF5;
	p2 =	por !p2, p0  }
0x20: {  	[sflag:s8] =	ssyncset.s32 @!p0 $0xFFFFF086;
	s6 =	sadd.s32 @!p0 s3, s7;
	s7 =	simm.s32 @!p0 $0x108  }
0x21: {  	s3 =	sadd.s32 s3, s9;
	s6 =	sadd.s32 @!p0 $0x88, s6;
	s7 =	simm.s32 @p2 $0x1082  }
0x22: {  	[simem:s7], [sflag:s8] =	dma.local @!p0 [hbm:s6], $0xF7A  }
0x23: {  	s9 =	sor.u32 $0xD0000000, s2;
	s6 =	simm.s32 $0x108;
	_ =	swait.ge @!p0 [sflag:s8], $0x0  }
0x24: {  	s3 =	sadd.s32 $0x88, s3;
	s6 =	simm.s32 @!p1 $0x1082;
	[sflag:s4] =	ssyncset.s32 $0xFFFFF086  }
0x25: {  	[simem:s6], [sflag:s4] =	dma.local [hbm:s3], $0xF7A  }
0x26: {  	[smem:$0x3F9B] =	sst s1;
	(tag) =	ssettag s2;
	_ =	strace s9  }
0x27: {  	s1 =	sld [smem:$0x3FAB]  }
0x28: {  	s2 =	sld [smem:$0x3FAC]  }
0x29: {  	s4 =	sld [smem:$0x3FAE]  }
0x2a: {  	p0 =	seq.s32 s5, $0x0;
	s5 =	sld [smem:$0x3FAF]  }
0x2b: {  	s6 =	sld [smem:$0x3FB0]  }
0x2c: {  	s7 =	sld [smem:$0x3FB1]  }
0x2d: {  	s3 =	simm.s32 $0x108;
	s8 =	sld [smem:$0x3FB2]  }
0x2e: {  	s3 =	simm.s32 @!p0 $0x1082;
	s9 =	sld [smem:$0x3FB3]  }
0x2f: {  	lr =	sadd.s32 s0, s3;
	s0 =	sld [smem:$0x3FAA]  }
0x30: {  	s3 =	sld [smem:$0x3FAD]  }
0x31: {  	[smem:$0x3FB6] =	sst s10  }
0x32: {  	s10 =	sld [smem:$0x3FB4];
	_ =	sdelay $0x3  }
0x33: {  	p0 =	seq.s32 s10, $0x1;
	s10 =	sld [smem:$0x3FB6];
	_ =	sdelay $0x3  }
0x34: {  	[smem:$0x3FB6] =	sst s10  }
0x35: {  	s10 =	sld [smem:$0x3FB5];
	_ =	sdelay $0x3  }
0x36: {  	p1 =	seq.s32 s10, $0x1;
	s10 =	sld [smem:$0x3FB6];
	_ =	sdelay $0x3  }
0x37: {  	[smem:$0x3FB6] =	sst s10  }
0x38: {  	s10 =	sld [smem:$0x3FB7]  }
0x39: {  	_ = 	snop;
	(pc) =	sbr.ind lr, $3  }
0x3a: {  	_ = 	snop  }
0x3b: {  	_ = 	snop  }
0x3c: {  	p2 =	seq.s32 s10, $0x1;
	s10 =	sld [smem:$0x3FB6]  }
0x3d: {  	_ =	shalt  }
0x3e: {  	_ =	shalt  }
0x3f: {  	_ =	shalt  }
0x40: {  	_ =	shalt  }
0x41: {  	_ =	shalt  }
0x42: {  	_ =	shalt  }
0x43: {  	_ =	shalt  }
0x44: {  	_ =	shalt  }
0x45: {  	_ =	shalt  }
0x46: {  	_ =	shalt  }
0x47: {  	_ =	shalt  }
0x48: {  	_ =	shalt  }
0x49: {  	_ =	shalt  }
0x4a: {  	_ =	shalt  }
0x4b: {  	_ =	shalt  }
0x4c: {  	_ =	shalt  }
0x4d: {  	_ =	shalt  }
0x4e: {  	_ =	shalt  }
0x4f: {  	_ =	shalt  }
0x50: {  	_ =	shalt  }
0x51: {  	_ =	shalt  }
0x52: {  	_ =	shalt  }
0x53: {  	_ =	shalt  }
0x54: {  	_ =	shalt  }
0x55: {  	_ =	shalt  }
0x56: {  	_ =	shalt  }
0x57: {  	_ =	shalt  }
0x58: {  	_ =	shalt  }
0x59: {  	_ =	shalt  }
0x5a: {  	_ =	shalt  }
0x5b: {  	_ =	shalt  }
0x5c: {  	_ =	shalt  }
0x5d: {  	_ =	shalt  }
0x5e: {  	_ =	shalt  }
0x5f: {  	_ =	shalt  }
0x60: {  	_ =	shalt  }
0x61: {  	_ =	shalt  }
0x62: {  	_ =	shalt  }
0x63: {  	_ =	shalt  }
0x64: {  	_ =	shalt  }
0x65: {  	_ =	shalt  }
0x66: {  	_ =	shalt  }
0x67: {  	_ =	shalt  }
0x68: {  	_ =	shalt  }
0x69: {  	_ =	shalt  }
0x6a: {  	_ =	shalt  }
0x6b: {  	_ =	shalt  }
0x6c: {  	_ =	shalt  }
0x6d: {  	_ =	shalt  }
0x6e: {  	_ =	shalt  }
0x6f: {  	_ =	shalt  }
0x70: {  	_ =	shalt  }
0x71: {  	_ =	shalt  }
0x72: {  	_ =	shalt  }
0x73: {  	_ =	shalt  }
0x74: {  	_ =	shalt  }
0x75: {  	_ =	shalt  }
0x76: {  	_ =	shalt  }
0x77: {  	_ =	shalt  }
0x78: {  	_ =	shalt  }
0x79: {  	_ =	shalt  }
0x7a: {  	_ =	shalt  }
0x7b: {  	_ =	shalt  }
0x7c: {  	_ =	shalt  }
0x7d: {  	_ =	shalt  }
0x7e: {  	_ =	shalt  }
0x7f: {  	_ =	shalt  }
0x80: {  	_ =	shalt  }
0x81: {  	_ =	shalt  }
0x82: {  	_ =	shalt  }
0x83: {  	_ =	shalt  }
0x84: {  	_ =	shalt  }
0x85: {  	_ =	shalt  }
0x86: {  	_ =	shalt  }
0x87: {  	_ =	shalt  }
.Lfunc_end0:
.L_simem_size_0:
called_computation_lowered:
.L_overlay_start_0:
0x88: {  	s0 =	sld [smem:$0x3FD9]  }
0x89: {  	s1 =	sld [smem:$0x3FFE];
	_ =	sdelay $0x3  }
0x8a: {  	s0 =	sadd.s32 s1, s0  }
0x8b: {  	[smem:$0x3FC2] =	sst s0  }
0x8c: {  	_ = 	snop  }
0x8d: {  	s0 =	sld [smem:$0x3FC8]  }
0x8e: {  	s16 =	sld [smem:$0x3FD0];
	(tm) =	ssettm $0x1  }
0x8f: {  	s2 =	sld [smem:$0x3FFB];
	_ =	sdelay $0x3  }
0x90: {  	_ =	strace s2  }
0x91: {  	s2 =	sld [smem:$0x3FFC];
	_ =	sdelay $0x3  }
0x92: {  	_ =	strace s2  }
0x93: {  	s2 =	sld [smem:$0x3FFD];
	_ =	sdelay $0x3  }
0x94: {  	_ =	strace s2  }
0x95: {  	_ =	strace $0x8FFFFFFF  }
0x96: {  	s17 =	sld [smem:$0x3FDB];
	_ =	sdelay $0x1  }
0x97: {  	s3 =	simm.s32 $_scs_section_size  }
0x98: {  	s4 =	simm.s32 $_size__tile_overlayer_lowered;
	s5 =	simm.s32 $_tile_overlayer_lowered  }
0x99: {  	s20 =	simm.s32 $0x1BFF;
	s19 =	sshll.u32 s5, $0x1;
	s2 =	sadd.s32 s3, s17  }
0x9a: {  	s6 =	simm.s32 $0x0;
	s18 =	sshll.u32 s4, $0x1;
	s4 =	sadd.s32 s19, s2  }
0x9b: {  	[timem:s6], [sflag:s20] =	dma.local [hbm:s4], s18  }
0x9c: {  	_ =	swait.ge [sflag:s20], s18  }
0x9d: {  	s3 =	ssub.s32 $0x0, s18;
	[sflag:s20] =	ssyncset.done $0x0  }
0x9e: {  	[sflag:s20] =	ssyncadd.s32 s3;
	_ =	sdelay $0x1  }
0x9f: {  	s21 =	simm.s32 $0x1B8B  }
0xa0: {  	_ =	swait.ge [sflag:s21], $0x1  }
0xa1: {  	[sflag:s21] =	ssyncset.done $0x0  }
0xa2: {  	s23 =	simm.s32 $0x1B8E;
	s22 =	sld [smem:$0x3FFE];
	[sflag:s21] =	ssyncadd.s32 $0xFFFFFFFF  }
0xa3: {  	s24 =	simm.s32 $execute0_lowered;
	[smem:$0x3FD2] =	sst s23  }
0xa4: {  	s4 =	sshll.u32 s24, $0x1;
	_ =	strace $0x80000046;
	[dreg:$0x1] =	wrdreg $0xFFFFFFFF  }
0xa5: {  	s25 =	simm.s32 $_size_execute0_lowered;
	s2 =	sadd.s32 s2, s4;
	[dreg:$0x0] =	wrdreg $0x0  }
0xa6: {  	s4 =	sshll.u32 s25, $0x1;
	[dreg:$0x2] =	wrdreg s2  }
0xa7: {  	[dreg:$0x3] =	wrdreg s4  }
0xa8: {  	[dreg:$0x4] =	wrdreg $0xC0  }
0xa9: {  	_ =	task [dreg:s6], $0x5FFFF  }
0xaa: {  	[dreg:$0x1] =	wrdreg $0xFFFFFFFF  }
0xab: {  	[dreg:$0x0] =	wrdreg $0x60  }
0xac: {  	[dreg:$0x2] =	wrdreg s0  }
0xad: {  	[dreg:$0x3] =	wrdreg s22  }
0xae: {  	[dreg:$0x4] =	wrdreg s16  }
0xaf: {  	[dreg:$0x5] =	wrdreg $0x9  }
0xb0: {  	_ =	task.clear_ibuf [dreg:s6], $0x6FFFF;
	_ =	strace $0x90000046  }
0xb1: {  	s26 =	simm.s32 $0x9;
	_ =	strace $0x80000048  }
0xb2: {  	_ =	swait.ge [sflag:s26], $0x1  }
0xb3: {  	[sflag:s26] =	ssyncadd.s32 $0xFFFFFFFF  }
0xb4: {  	_ =	strace $0x90000048  }
0xb5: {  	_ =	sfence  }
0xb6: {  	s28 =	sld [smem:$0x0];
	_ =	sdelay $0x1  }
0xb7: {  	s29 =	srdreg.scid  }
0xb8: {  	s30 =	sshll.u32 s29, $0xD;
	s31 =	sshrl.u32 s29, $0x2  }
0xb9: {  	s1 =	sand.u32 $0x1, s29;
	s2 =	sand.u32 $0x4000, s30;
	s0 =	sadd.s32 s31, s28  }
0xba: {  	s1 =	sor.u32 s2, s1;
	s0 =	sshll.u32 s0, $0x11  }
0xbb: {  	s0 =	sor.u32 s0, s1  }
0xbc: {  	s0 =	sadd.s32 $0x8F2B, s0  }
0xbd: {  	[sflag:s0] =	ssyncadd.remote.s32 $0x1  }
0xbe: {  	_ =	sfence.sel $0xFFFF  }
0xbf: {  	[dreg:$0x0] =	wrdreg $0xFFFFFFFF;
	(pc) =	sbr.abs _section_cstart, $3  }
0xc0: {  	[dreg:$0x1] =	wrdreg $0xFFFFFFFF  }
0xc1: {  	_ =	task.clear_ibuf [dreg:s6], $0x2FFFF;
	_ =	strace $0x9FFFFFFF  }
0xc2: {  	(tm) =	ssettm $0x7FFFFFFF  }
0xc3: {  	_ =	shalt  }
tec
execute0_lowered:
.L_overlay_start_1:
0x0: {  	(tag) =	ssettag $0x1  }
0x1: {  	s1 =	stileid.u32  }
0x2: {  	p0 =	sgt.u32 s1, $0x7  }
.Ltmp0:
0x3: {  	s4 =	rddreg [dreg:$0x0];
	(pc) =	sbr.rel @p0 .LBB2_2-.Ltmp0, $4  }
0x4: {  	s6 =	rddreg [dreg:$0x1]  }
0x5: {  	s3 =	rddreg [dreg:$0x2];
	s2 =	simm.s32 $0x0  }
0x6: {  	[smem:$0x7FF] =	sst s2  }
0x7: {  	s0 =	rddreg [dreg:$0x3];
	_ =	strace $0x80000047  }
0x8: {  	v0 =	vimm.s32 $0x0  }
0x9: {  	[tilespmem:$0x0] =	vst v0  }
0xa: {  	[tilespmem:$0x10] =	vst v0  }
0xb: {  	[tilespmem:$0x20] =	vst v0  }
0xc: {  	[tilespmem:$0x30] =	vst v0  }
0xd: {  	[tilespmem:$0x40] =	vst v0  }
0xe: {  	[tilespmem:$0x50] =	vst v0  }
0xf: {  	[tilespmem:$0x60] =	vst v0  }
0x10: {  	[tilespmem:$0x70] =	vst v0  }
0x11: {  	[tilespmem:$0x80] =	vst v0  }
0x12: {  	[tilespmem:$0x90] =	vst v0  }
0x13: {  	[tilespmem:$0xA0] =	vst v0  }
0x14: {  	[tilespmem:$0xB0] =	vst v0  }
0x15: {  	[tilespmem:$0xC0] =	vst v0  }
0x16: {  	s5 =	sshll.u32 s1, $0x8;
	[tilespmem:$0xD0] =	vst v0  }
0x17: {  	s5 =	smin.u32 s5, $0x6D0;
	[tilespmem:$0xE0] =	vst v0  }
0x18: {  	[tilespmem:$0xF0] =	vst v0;
	s5 =	sshrl.u32 s5, $0x3  }
0x19: {  	s29 =	simm.s32 $0x2;
	[tilespmem:$0x100] =	vst v0;
	s4 =	sadd.s32 s4, s5  }
0x1a: {  	[tilespmem:s2], [sflag:$0x2] =	stream.linear.gather [hbm4b:s4+s2], $0x101, $0x38;
	[tilespmem:$0x400] =	vst v63  }
0x1b: {  	_ =	swait.ge [sflag:s29], $0x101  }
0x1c: {  	s6 =	sadd.s32 $0xA00, s6;
	s7 =	simm.s32 $0x110;
	[sflag:s29] =	ssyncset.done $0x0  }
0x1d: {  	s8 =	simm.s32 $0x180;
	s30 =	simm.s32 $0x1;
	[sflag:s29] =	ssyncadd.s32 $0xFFFFFEFF  }
0x1e: {  	[tilespmem:s8], [sflag:$0x1] =	stream.indirect.gather [hbm4b:s6+s7], $0x1, s2, s7, $0xb8;
	[tilespmem:$0x400] =	vst v63  }
0x1f: {  	_ =	swait.ge [sflag:s30], $0x110  }
0x20: {  	[sflag:s30] =	ssyncset.done $0x0  }
0x21: {  	[sflag:s30] =	ssyncadd.s32 $0xFFFFFEF0  }
0x22: {  	v39 =	vld [tilespmem:$0x180]  }
0x23: {  	v1 =	vld [tilespmem:$0x181]  }
0x24: {  	v2 =	vld [tilespmem:$0x190]  }
0x25: {  	v3 =	vld [tilespmem:$0x191]  }
0x26: {  	v4 =	vld [tilespmem:$0x1A0]  }
0x27: {  	v5 =	vld [tilespmem:$0x1A1]  }
0x28: {  	v6 =	vld [tilespmem:$0x1B0]  }
0x29: {  	v7 =	vld [tilespmem:$0x1B1]  }
0x2a: {  	v8 =	vld [tilespmem:$0x1C0]  }
0x2b: {  	v9 =	vld [tilespmem:$0x1C1]  }
0x2c: {  	v10 =	vld [tilespmem:$0x1D0]  }
0x2d: {  	v11 =	vld [tilespmem:$0x1D1]  }
0x2e: {  	v12 =	vld [tilespmem:$0x1E0]  }
0x2f: {  	v13 =	vld [tilespmem:$0x1E1]  }
0x30: {  	v14 =	vld [tilespmem:$0x1F0]  }
0x31: {  	v15 =	vld [tilespmem:$0x1F1]  }
0x32: {  	v16 =	vld [tilespmem:$0x200]  }
0x33: {  	v17 =	vld [tilespmem:$0x201]  }
0x34: {  	v18 =	vld [tilespmem:$0x210]  }
0x35: {  	v19 =	vld [tilespmem:$0x211]  }
0x36: {  	v20 =	vld [tilespmem:$0x220]  }
0x37: {  	v40 =	vld [tilespmem:$0x221];
	v0 =	vsub.f32 v1, v39  }
0x38: {  	v41 =	vld [tilespmem:$0x230];
	v2 =	vsub.f32 v3, v2  }
0x39: {  	v43 =	vld [tilespmem:$0x231];
	v42 =	vsub.f32 v5, v4;
	[tilespmem:$0x300] =	vst v0  }
0x3a: {  	v45 =	vld [tilespmem:$0x240];
	v44 =	vsub.f32 v7, v6;
	[tilespmem:$0x310] =	vst v2  }
0x3b: {  	v47 =	vld [tilespmem:$0x241];
	v46 =	vsub.f32 v9, v8;
	[tilespmem:$0x320] =	vst v42  }
0x3c: {  	v49 =	vld [tilespmem:$0x250];
	v48 =	vsub.f32 v11, v10;
	[tilespmem:$0x330] =	vst v44  }
0x3d: {  	v51 =	vld [tilespmem:$0x251];
	v50 =	vsub.f32 v13, v12;
	[tilespmem:$0x340] =	vst v46  }
0x3e: {  	v53 =	vld [tilespmem:$0x260];
	v52 =	vsub.f32 v15, v14;
	[tilespmem:$0x350] =	vst v48  }
0x3f: {  	v55 =	vld [tilespmem:$0x261];
	v54 =	vsub.f32 v17, v16;
	[tilespmem:$0x360] =	vst v50  }
0x40: {  	v57 =	vld [tilespmem:$0x270];
	v56 =	vsub.f32 v19, v18;
	[tilespmem:$0x370] =	vst v52  }
0x41: {  	v59 =	vld [tilespmem:$0x271];
	v58 =	vsub.f32 v40, v20;
	[tilespmem:$0x380] =	vst v54  }
0x42: {  	v60 =	vsub.f32 v43, v41;
	[tilespmem:$0x390] =	vst v56  }
0x43: {  	v61 =	vsub.f32 v47, v45;
	[tilespmem:$0x3A0] =	vst v58  }
0x44: {  	v62 =	vsub.f32 v51, v49;
	[tilespmem:$0x3B0] =	vst v60  }
0x45: {  	v63 =	vsub.f32 v55, v53;
	[tilespmem:$0x3C0] =	vst v61  }
0x46: {  	v1 =	vsub.f32 v59, v57;
	[tilespmem:$0x3D0] =	vst v62  }
0x47: {  	[tilespmem:$0x3E0] =	vst v63  }
0x48: {  	s31 =	simm.s32 $0x300;
	s3 =	sadd.s32 s3, s5;
	[tilespmem:$0x3F0] =	vst v1  }
0x49: {  	[hbm4b:s3+s2] =	stream.linear.scatter [tilespmem:s31], [sflag:$0x2], $0x100, $0x38;
	[tilespmem:$0x400] =	vst v63  }
0x4a: {  	_ =	swait.ge [sflag:s29], $0x100  }
0x4b: {  	[sflag:s29] =	ssyncset.done $0x0  }
0x4c: {  	[sflag:s29] =	ssyncadd.s32 $0xFFFFFF00  }
.LBB2_2:
0x4d: {  	_ =	sfence.sel $0x180000  }
0x4e: {  	[bflag:$0x0] =	sbarrier.arrive $0xFFFF  }
0x4f: {  	p0 =	sne.s32 s1, $0x0;
	_ =	strace $0x90000047  }
0x50: {  	s0 =	sadd.s32 @!p0 $0x100000, s0;
	[bflag:$0x2] =	sbarrier.arrive $0xFFFF  }
0x51: {  	[sflag:s0] =	ssyncadd.tile.s32 @!p0 $0x1;
	_ =	shalt  }
.Lfunc_end2:
_tile_overlayer_lowered:
.L_overlay_start_2:
0x52: {  	(tag) =	ssettag $0x2  }
0x53: {  	s0 =	rddreg [dreg:$0x0];
	s2 =	stileid.u32  }
0x54: {  	s1 =	rddreg [dreg:$0x1];
	p0 =	sne.s32 s2, $0x0  }
0x55: {  	s3 =	rddreg [dreg:$0x2];
	[bflag:$0x3] =	sbarrier.arrive $0xFFFF;
	s2 =	simm.s32 @!p0 $0x1C02  }
0x56: {  	[timem:s3], [sflag:s2] =	dma.local @!p0 [hbm:s0], s1  }
0x57: {  	s0 =	simm.s32 @!p0 $0x2  }
0x58: {  	_ =	swait.ge @!p0 [sflag:s0], s1  }
0x59: {  	s1 =	ssub.s32 @!p0 $0x0, s1;
	[sflag:s0] =	ssyncset.done @!p0 $0x0  }
0x5a: {  	[sflag:s0] =	ssyncadd.s32 @!p0 s1  }
0x5b: {  	[bflag:$0x3] =	sbarrier.arrive $0xFFFF  }
0x5c: {  	_ =	shalt  }

</sc_bundles>
